<compile_context>
chip_gen: v7x
topology: tpu7x:2x2x1
jax: 0.10.2.dev20260603
libtpu: 0.0.44.dev20260713+nightly
codegen_flags: <defaults>
</compile_context>

<pallas_src>
import functools

import numpy as np
import jax
import jax.numpy as jnp
from jax import lax
from jax.experimental import pallas as pl
from jax.experimental.pallas import tpu as pltpu
from jax.experimental.pallas import tpu_sc as plsc

_BATCH = 16384
_NSEG = 26
_SEG = 128
_ROWS = _BATCH * _NSEG

_CHUNK = 128
_NBUF = 4


def _make_index_array(num_workers, nch):
    i = np.arange(_ROWS, dtype=np.int64)
    idx = (i // _NSEG) * _NSEG + (_NSEG - 1 - i % _NSEG)
    return jnp.asarray(idx.reshape(num_workers, nch, _CHUNK).astype(np.int32))


def kernel(pooled_embs):
    x = pooled_embs.reshape(_ROWS, _SEG)

    info = plsc.get_sparse_core_info()
    num_workers = info.num_cores * info.num_subcores
    rows_per = _ROWS // num_workers
    nch = rows_per // _CHUNK

    idx_arr = _make_index_array(num_workers, nch)

    mesh = plsc.VectorSubcoreMesh(core_axis_name="c", subcore_axis_name="s")

    @functools.partial(
        pl.kernel,
        mesh=mesh,
        out_type=jax.ShapeDtypeStruct((_ROWS, _SEG), jnp.float32),
        scratch_types=[
            pltpu.VMEM((nch, _CHUNK), jnp.int32),
            pltpu.VMEM((_NBUF, _CHUNK, _SEG), jnp.float32),
        ] + [pltpu.SemaphoreType.DMA] * _NBUF,
    )
    def permute_sc(in_hbm, idx_hbm, out_hbm, idx_v, rows_v, *sems):
        wid = lax.axis_index("s") * info.num_cores + lax.axis_index("c")
        base = wid * rows_per

        pltpu.sync_copy(idx_hbm.at[wid], idx_v)

        for b in range(_NBUF):
            pltpu.async_copy(in_hbm.at[idx_v.at[b]], rows_v.at[b], sems[b])

        @pl.loop(0, nch, step=_NBUF)
        def _ring(g):
            for b in range(_NBUF):
                c = g + b
                pltpu.make_async_copy(
                    in_hbm.at[idx_v.at[c]], rows_v.at[b], sems[b]
                ).wait()
                pltpu.sync_copy(
                    rows_v.at[b], out_hbm.at[pl.ds(base + c * _CHUNK, _CHUNK)]
                )
                nxt = c + _NBUF

                @pl.when(nxt < nch)
                def _():
                    pltpu.async_copy(
                        in_hbm.at[idx_v.at[nxt]], rows_v.at[b], sems[b]
                    )

    return permute_sc(x, idx_arr).reshape(_BATCH, _NSEG * _SEG)

# --- scband reference (transcript-rebuilt; emitter-appended) ---
"""Pipeline reference for scband-permute-pooled-embeddings-12472585028200 (READ-ONLY COPY).

The authoritative reference and input builder live on the scoring server;
editing this copy changes nothing except your own understanding.
"""

import jax, jax.numpy as jnp
import numpy as np

EMBS_DIMS = [128] * 26
PERMUTE = list(range(25, -1, -1))
OFFSETS = [0] + list(np.cumsum(EMBS_DIMS))
BATCH = 16384


def setup_inputs(seed: int = 0) -> dict:
    key = jax.random.key(seed)
    pooled_embs = jax.random.normal(key, (BATCH, sum(EMBS_DIMS)), dtype=jnp.float32)
    return {"pooled_embs": pooled_embs}


def reference(pooled_embs):
    # Faithful translation of fbgemm.permute_pooled_embs_auto_grad forward:
    # the pooled embedding row is a concatenation of per-table pooled segments
    # of widths EMBS_DIMS; the op reorders those segments according to PERMUTE.
    pieces = [pooled_embs[:, OFFSETS[p]:OFFSETS[p + 1]] for p in PERMUTE]
    return jnp.concatenate(pieces, axis=1)

if __name__ == "__main__":
    import jax
    _d = setup_inputs()
    print(jax.jit(kernel)(*tuple(_d.values())))

</pallas_src>

<mosaic_0001>
#map = affine_map<(d0, d1) -> (0, 0)>
#map1 = affine_map<(d0, d1) -> (0, 0, 0)>
module attributes {stable_mosaic.version = 14 : i64} {
  func.func @permute_sc(%arg0: i32, %arg1: i32, %arg2: memref<425984x128xf32, #tpu.memory_space<hbm>>, %arg3: memref<32x104x128xi32, #tpu.memory_space<hbm>>, %arg4: memref<425984x128xf32, #tpu.memory_space<hbm>>, %arg5: memref<104x128xi32, #tpu.memory_space<vmem>>, %arg6: memref<4x128x128xf32, #tpu.memory_space<vmem>>, %arg7: memref<!tpu.dma_semaphore, #tpu.memory_space<semaphore_mem>>, %arg8: memref<!tpu.dma_semaphore, #tpu.memory_space<semaphore_mem>>, %arg9: memref<!tpu.dma_semaphore, #tpu.memory_space<semaphore_mem>>, %arg10: memref<!tpu.dma_semaphore, #tpu.memory_space<semaphore_mem>>) attributes {dimension_semantics = [#tpu.dimension_semantics<core_parallel>, #tpu.dimension_semantics<subcore_parallel>], iteration_bounds = array<i64: 2, 16>, scalar_prefetch = 0 : i64, scratch_operands = 6 : i64, tpu.core_type = #tpu.core_type<sc_vector_subcore>, window_params = [{transform_indices = #map}, {transform_indices = #map1}, {transform_indices = #map}]} {
    %mul3A = arith.constant 2 : i32
    %mul3A_0 = arith.muli %arg1, %mul3A : i32
    %add3A = arith.addi %mul3A_0, %arg0 : i32
    %mul3A_1 = arith.constant 13312 : i32
    %mul3A_2 = arith.muli %add3A, %mul3A_1 : i32
    "tpu.region"() ({
      %run_scoped3A = tpu.sem_alloc : memref<!tpu.dma_semaphore, #tpu.memory_space<semaphore_mem>>
      %dma_start3A_54 = arith.constant 0 : i32
      %dma_start3A_55 = arith.constant 0 : i32
      %dma_start3A_56 = tpu.memref_slice %arg3[%add3A, %dma_start3A_54, %dma_start3A_55] : memref<32x104x128xi32, #tpu.memory_space<hbm>> -> memref<1x104x128xi32, #tpu.memory_space<hbm>>
      %dma_start3A_57 = tpu.memref_squeeze %dma_start3A_56 : memref<1x104x128xi32, #tpu.memory_space<hbm>> -> memref<104x128xi32, #tpu.memory_space<hbm>>
      %dma_start3A_58 = arith.constant 0 : i32
      %dma_start3A_59 = arith.constant 0 : i32
      %dma_start3A_60 = tpu.memref_slice %arg3[%add3A, %dma_start3A_58, %dma_start3A_59] : memref<32x104x128xi32, #tpu.memory_space<hbm>> -> memref<1x104x128xi32, #tpu.memory_space<hbm>>
      %dma_start3A_61 = tpu.memref_squeeze %dma_start3A_60 : memref<1x104x128xi32, #tpu.memory_space<hbm>> -> memref<104x128xi32, #tpu.memory_space<hbm>>
      tpu.enqueue_dma source(%dma_start3A_61 : memref<104x128xi32, #tpu.memory_space<hbm>>) target(%arg5 : memref<104x128xi32, #tpu.memory_space<vmem>>) target_semaphore(%run_scoped3A : memref<!tpu.dma_semaphore, #tpu.memory_space<semaphore_mem>>)
      %dma_wait3A = arith.constant 0 : i32
      %dma_wait3A_62 = arith.constant 0 : i32
      %dma_wait3A_63 = tpu.memref_slice %arg3[%add3A, %dma_wait3A, %dma_wait3A_62] : memref<32x104x128xi32, #tpu.memory_space<hbm>> -> memref<1x104x128xi32, #tpu.memory_space<hbm>>
      %dma_wait3A_64 = tpu.memref_squeeze %dma_wait3A_63 : memref<1x104x128xi32, #tpu.memory_space<hbm>> -> memref<104x128xi32, #tpu.memory_space<hbm>>
      %dma_wait3A_65 = arith.constant 0 : i32
      %dma_wait3A_66 = arith.constant 0 : i32
      %dma_wait3A_67 = tpu.memref_slice %arg3[%add3A, %dma_wait3A_65, %dma_wait3A_66] : memref<32x104x128xi32, #tpu.memory_space<hbm>> -> memref<1x104x128xi32, #tpu.memory_space<hbm>>
      %dma_wait3A_68 = tpu.memref_squeeze %dma_wait3A_67 : memref<1x104x128xi32, #tpu.memory_space<hbm>> -> memref<104x128xi32, #tpu.memory_space<hbm>>
      tpu.wait_dma2 semaphore(%run_scoped3A : memref<!tpu.dma_semaphore, #tpu.memory_space<semaphore_mem>>) src(%dma_wait3A_68 : memref<104x128xi32, #tpu.memory_space<hbm>>) dst(%arg5 : memref<104x128xi32, #tpu.memory_space<vmem>>)
      tpu.yield
    }) : () -> ()
    %dma_start3A = arith.constant 0 : i32
    %dma_start3A_3 = arith.constant 0 : i32
    %dma_start3A_4 = arith.constant 0 : i32
    %dma_start3A_5 = arith.constant 0 : i32
    %dma_start3A_6 = tpu.memref_slice %arg6[%dma_start3A_3, %dma_start3A_4, %dma_start3A_5] : memref<4x128x128xf32, #tpu.memory_space<vmem>> -> memref<1x128x128xf32, #tpu.memory_space<vmem>>
    %dma_start3A_7 = tpu.memref_squeeze %dma_start3A_6 : memref<1x128x128xf32, #tpu.memory_space<vmem>> -> memref<128x128xf32, #tpu.memory_space<vmem>>
    %dma_start3A_8 = arith.constant 0 : i32
    %dma_start3A_9 = tpu.memref_slice %arg5[%dma_start3A, %dma_start3A_8] : memref<104x128xi32, #tpu.memory_space<vmem>> -> memref<1x128xi32, #tpu.memory_space<vmem>>
    %dma_start3A_10 = tpu.memref_squeeze %dma_start3A_9 : memref<1x128xi32, #tpu.memory_space<vmem>> -> memref<128xi32, #tpu.memory_space<vmem>>
    %dma_start3A_11 = arith.constant 0 : i32
    %dma_start3A_12 = arith.constant 0 : i32
    %dma_start3A_13 = tpu.memref_slice %arg2[%dma_start3A_11, %dma_start3A_12] : memref<425984x128xf32, #tpu.memory_space<hbm>> -> memref<425984x128xf32, #tpu.memory_space<hbm>>
    tpu.enqueue_indirect_dma source(%dma_start3A_13 : memref<425984x128xf32, #tpu.memory_space<hbm>>) target(%dma_start3A_7 : memref<128x128xf32, #tpu.memory_space<vmem>>) offsets(%dma_start3A_10 : memref<128xi32, #tpu.memory_space<vmem>>) semaphore(%arg7 : memref<!tpu.dma_semaphore, #tpu.memory_space<semaphore_mem>>)
    %dma_start3A_14 = arith.constant 1 : i32
    %dma_start3A_15 = arith.constant 1 : i32
    %dma_start3A_16 = arith.constant 0 : i32
    %dma_start3A_17 = arith.constant 0 : i32
    %dma_start3A_18 = tpu.memref_slice %arg6[%dma_start3A_15, %dma_start3A_16, %dma_start3A_17] : memref<4x128x128xf32, #tpu.memory_space<vmem>> -> memref<1x128x128xf32, #tpu.memory_space<vmem>>
    %dma_start3A_19 = tpu.memref_squeeze %dma_start3A_18 : memref<1x128x128xf32, #tpu.memory_space<vmem>> -> memref<128x128xf32, #tpu.memory_space<vmem>>
    %dma_start3A_20 = arith.constant 0 : i32
    %dma_start3A_21 = tpu.memref_slice %arg5[%dma_start3A_14, %dma_start3A_20] : memref<104x128xi32, #tpu.memory_space<vmem>> -> memref<1x128xi32, #tpu.memory_space<vmem>>
    %dma_start3A_22 = tpu.memref_squeeze %dma_start3A_21 : memref<1x128xi32, #tpu.memory_space<vmem>> -> memref<128xi32, #tpu.memory_space<vmem>>
    %dma_start3A_23 = arith.constant 0 : i32
    %dma_start3A_24 = arith.constant 0 : i32
    %dma_start3A_25 = tpu.memref_slice %arg2[%dma_start3A_23, %dma_start3A_24] : memref<425984x128xf32, #tpu.memory_space<hbm>> -> memref<425984x128xf32, #tpu.memory_space<hbm>>
    tpu.enqueue_indirect_dma source(%dma_start3A_25 : memref<425984x128xf32, #tpu.memory_space<hbm>>) target(%dma_start3A_19 : memref<128x128xf32, #tpu.memory_space<vmem>>) offsets(%dma_start3A_22 : memref<128xi32, #tpu.memory_space<vmem>>) semaphore(%arg8 : memref<!tpu.dma_semaphore, #tpu.memory_space<semaphore_mem>>)
    %dma_start3A_26 = arith.constant 2 : i32
    %dma_start3A_27 = arith.constant 2 : i32
    %dma_start3A_28 = arith.constant 0 : i32
    %dma_start3A_29 = arith.constant 0 : i32
    %dma_start3A_30 = tpu.memref_slice %arg6[%dma_start3A_27, %dma_start3A_28, %dma_start3A_29] : memref<4x128x128xf32, #tpu.memory_space<vmem>> -> memref<1x128x128xf32, #tpu.memory_space<vmem>>
    %dma_start3A_31 = tpu.memref_squeeze %dma_start3A_30 : memref<1x128x128xf32, #tpu.memory_space<vmem>> -> memref<128x128xf32, #tpu.memory_space<vmem>>
    %dma_start3A_32 = arith.constant 0 : i32
    %dma_start3A_33 = tpu.memref_slice %arg5[%dma_start3A_26, %dma_start3A_32] : memref<104x128xi32, #tpu.memory_space<vmem>> -> memref<1x128xi32, #tpu.memory_space<vmem>>
    %dma_start3A_34 = tpu.memref_squeeze %dma_start3A_33 : memref<1x128xi32, #tpu.memory_space<vmem>> -> memref<128xi32, #tpu.memory_space<vmem>>
    %dma_start3A_35 = arith.constant 0 : i32
    %dma_start3A_36 = arith.constant 0 : i32
    %dma_start3A_37 = tpu.memref_slice %arg2[%dma_start3A_35, %dma_start3A_36] : memref<425984x128xf32, #tpu.memory_space<hbm>> -> memref<425984x128xf32, #tpu.memory_space<hbm>>
    tpu.enqueue_indirect_dma source(%dma_start3A_37 : memref<425984x128xf32, #tpu.memory_space<hbm>>) target(%dma_start3A_31 : memref<128x128xf32, #tpu.memory_space<vmem>>) offsets(%dma_start3A_34 : memref<128xi32, #tpu.memory_space<vmem>>) semaphore(%arg9 : memref<!tpu.dma_semaphore, #tpu.memory_space<semaphore_mem>>)
    %dma_start3A_38 = arith.constant 3 : i32
    %dma_start3A_39 = arith.constant 3 : i32
    %dma_start3A_40 = arith.constant 0 : i32
    %dma_start3A_41 = arith.constant 0 : i32
    %dma_start3A_42 = tpu.memref_slice %arg6[%dma_start3A_39, %dma_start3A_40, %dma_start3A_41] : memref<4x128x128xf32, #tpu.memory_space<vmem>> -> memref<1x128x128xf32, #tpu.memory_space<vmem>>
    %dma_start3A_43 = tpu.memref_squeeze %dma_start3A_42 : memref<1x128x128xf32, #tpu.memory_space<vmem>> -> memref<128x128xf32, #tpu.memory_space<vmem>>
    %dma_start3A_44 = arith.constant 0 : i32
    %dma_start3A_45 = tpu.memref_slice %arg5[%dma_start3A_38, %dma_start3A_44] : memref<104x128xi32, #tpu.memory_space<vmem>> -> memref<1x128xi32, #tpu.memory_space<vmem>>
    %dma_start3A_46 = tpu.memref_squeeze %dma_start3A_45 : memref<1x128xi32, #tpu.memory_space<vmem>> -> memref<128xi32, #tpu.memory_space<vmem>>
    %dma_start3A_47 = arith.constant 0 : i32
    %dma_start3A_48 = arith.constant 0 : i32
    %dma_start3A_49 = tpu.memref_slice %arg2[%dma_start3A_47, %dma_start3A_48] : memref<425984x128xf32, #tpu.memory_space<hbm>> -> memref<425984x128xf32, #tpu.memory_space<hbm>>
    tpu.enqueue_indirect_dma source(%dma_start3A_49 : memref<425984x128xf32, #tpu.memory_space<hbm>>) target(%dma_start3A_43 : memref<128x128xf32, #tpu.memory_space<vmem>>) offsets(%dma_start3A_46 : memref<128xi32, #tpu.memory_space<vmem>>) semaphore(%arg10 : memref<!tpu.dma_semaphore, #tpu.memory_space<semaphore_mem>>)
    %scan3A = arith.constant 0 : i32
    %scan3A_50 = arith.constant 26 : i32
    %scan3A_51 = arith.addi %scan3A, %scan3A_50 : i32
    %scan3A_52 = arith.constant 1 : i32
    scf.for %scan3A_54 = %scan3A to %scan3A_51 step %scan3A_52  : i32 {
      %mul3A_55 = arith.constant 4 : i32
      %mul3A_56 = arith.muli %scan3A_54, %mul3A_55 : i32
      %add3A_57 = arith.constant 0 : i32
      %add3A_58 = arith.addi %add3A_57, %mul3A_56 : i32
      %add3A_59 = arith.constant 0 : i32
      %add3A_60 = arith.addi %add3A_58, %add3A_59 : i32
      %dma_wait3A = arith.constant 0 : i32
      %dma_wait3A_61 = arith.constant 0 : i32
      %dma_wait3A_62 = arith.constant 0 : i32
      %dma_wait3A_63 = tpu.memref_slice %arg6[%dma_wait3A, %dma_wait3A_61, %dma_wait3A_62] : memref<4x128x128xf32, #tpu.memory_space<vmem>> -> memref<1x128x128xf32, #tpu.memory_space<vmem>>
      %dma_wait3A_64 = tpu.memref_squeeze %dma_wait3A_63 : memref<1x128x128xf32, #tpu.memory_space<vmem>> -> memref<128x128xf32, #tpu.memory_space<vmem>>
      %dma_wait3A_65 = arith.constant 0 : i32
      %dma_wait3A_66 = tpu.memref_slice %arg5[%add3A_60, %dma_wait3A_65] : memref<104x128xi32, #tpu.memory_space<vmem>> -> memref<1x128xi32, #tpu.memory_space<vmem>>
      %dma_wait3A_67 = tpu.memref_squeeze %dma_wait3A_66 : memref<1x128xi32, #tpu.memory_space<vmem>> -> memref<128xi32, #tpu.memory_space<vmem>>
      %dma_wait3A_68 = arith.constant 0 : i32
      %dma_wait3A_69 = arith.constant 0 : i32
      %dma_wait3A_70 = tpu.memref_slice %arg2[%dma_wait3A_68, %dma_wait3A_69] : memref<425984x128xf32, #tpu.memory_space<hbm>> -> memref<425984x128xf32, #tpu.memory_space<hbm>>
      tpu.wait_indirect_dma semaphore(%arg7 : memref<!tpu.dma_semaphore, #tpu.memory_space<semaphore_mem>>) src(%dma_wait3A_70 : memref<425984x128xf32, #tpu.memory_space<hbm>>) dst(%dma_wait3A_64 : memref<128x128xf32, #tpu.memory_space<vmem>>)
      %mul3A_71 = arith.constant 128 : i32
      %mul3A_72 = arith.muli %add3A_60, %mul3A_71 : i32
      %add3A_73 = arith.addi %mul3A_2, %mul3A_72 : i32
      %run_scoped3A = arith.constant 0 : i32
      "tpu.region"() ({
        %run_scoped3A_150 = tpu.sem_alloc : memref<!tpu.dma_semaphore, #tpu.memory_space<semaphore_mem>>
        %dma_start3A_151 = arith.constant 0 : i32
        %dma_start3A_152 = arith.constant 0 : i32
        %dma_start3A_153 = tpu.memref_slice %arg6[%run_scoped3A, %dma_start3A_151, %dma_start3A_152] : memref<4x128x128xf32, #tpu.memory_space<vmem>> -> memref<1x128x128xf32, #tpu.memory_space<vmem>>
        %dma_start3A_154 = tpu.memref_squeeze %dma_start3A_153 : memref<1x128x128xf32, #tpu.memory_space<vmem>> -> memref<128x128xf32, #tpu.memory_space<vmem>>
        %dma_start3A_155 = arith.constant 0 : i32
        %dma_start3A_156 = tpu.memref_slice %arg4[%add3A_73, %dma_start3A_155] : memref<425984x128xf32, #tpu.memory_space<hbm>> -> memref<128x128xf32, #tpu.memory_space<hbm>>
        %dma_start3A_157 = arith.constant 0 : i32
        %dma_start3A_158 = tpu.memref_slice %arg4[%add3A_73, %dma_start3A_157] : memref<425984x128xf32, #tpu.memory_space<hbm>> -> memref<128x128xf32, #tpu.memory_space<hbm>>
        %dma_start3A_159 = arith.constant 0 : i32
        %dma_start3A_160 = arith.constant 0 : i32
        %dma_start3A_161 = tpu.memref_slice %arg6[%run_scoped3A, %dma_start3A_159, %dma_start3A_160] : memref<4x128x128xf32, #tpu.memory_space<vmem>> -> memref<1x128x128xf32, #tpu.memory_space<vmem>>
        %dma_start3A_162 = tpu.memref_squeeze %dma_start3A_161 : memref<1x128x128xf32, #tpu.memory_space<vmem>> -> memref<128x128xf32, #tpu.memory_space<vmem>>
        tpu.enqueue_dma source(%dma_start3A_162 : memref<128x128xf32, #tpu.memory_space<vmem>>) target(%dma_start3A_158 : memref<128x128xf32, #tpu.memory_space<hbm>>) target_semaphore(%run_scoped3A_150 : memref<!tpu.dma_semaphore, #tpu.memory_space<semaphore_mem>>)
        %dma_wait3A_163 = arith.constant 0 : i32
        %dma_wait3A_164 = arith.constant 0 : i32
        %dma_wait3A_165 = tpu.memref_slice %arg6[%run_scoped3A, %dma_wait3A_163, %dma_wait3A_164] : memref<4x128x128xf32, #tpu.memory_space<vmem>> -> memref<1x128x128xf32, #tpu.memory_space<vmem>>
        %dma_wait3A_166 = tpu.memref_squeeze %dma_wait3A_165 : memref<1x128x128xf32, #tpu.memory_space<vmem>> -> memref<128x128xf32, #tpu.memory_space<vmem>>
        %dma_wait3A_167 = arith.constant 0 : i32
        %dma_wait3A_168 = tpu.memref_slice %arg4[%add3A_73, %dma_wait3A_167] : memref<425984x128xf32, #tpu.memory_space<hbm>> -> memref<128x128xf32, #tpu.memory_space<hbm>>
        %dma_wait3A_169 = arith.constant 0 : i32
        %dma_wait3A_170 = tpu.memref_slice %arg4[%add3A_73, %dma_wait3A_169] : memref<425984x128xf32, #tpu.memory_space<hbm>> -> memref<128x128xf32, #tpu.memory_space<hbm>>
        %dma_wait3A_171 = arith.constant 0 : i32
        %dma_wait3A_172 = arith.constant 0 : i32
        %dma_wait3A_173 = tpu.memref_slice %arg6[%run_scoped3A, %dma_wait3A_171, %dma_wait3A_172] : memref<4x128x128xf32, #tpu.memory_space<vmem>> -> memref<1x128x128xf32, #tpu.memory_space<vmem>>
        %dma_wait3A_174 = tpu.memref_squeeze %dma_wait3A_173 : memref<1x128x128xf32, #tpu.memory_space<vmem>> -> memref<128x128xf32, #tpu.memory_space<vmem>>
        tpu.wait_dma2 semaphore(%run_scoped3A_150 : memref<!tpu.dma_semaphore, #tpu.memory_space<semaphore_mem>>) src(%dma_wait3A_174 : memref<128x128xf32, #tpu.memory_space<vmem>>) dst(%dma_wait3A_170 : memref<128x128xf32, #tpu.memory_space<hbm>>)
        tpu.yield
      }) : () -> ()
      %add3A_74 = arith.constant 4 : i32
      %add3A_75 = arith.addi %add3A_60, %add3A_74 : i32
      %lt3A = arith.constant 104 : i32
      %lt3A_76 = arith.cmpi slt, %add3A_75, %lt3A : i32
      %convert_element_type3A = arith.extui %lt3A_76 : i1 to i32
      %cond3A = arith.constant 0 : i32
      %cond3A_77 = arith.cmpi ne, %convert_element_type3A, %cond3A : i32
      scf.if %cond3A_77 {
        %dma_start3A_150 = arith.constant 0 : i32
        %dma_start3A_151 = arith.constant 0 : i32
        %dma_start3A_152 = arith.constant 0 : i32
        %dma_start3A_153 = tpu.memref_slice %arg6[%dma_start3A_150, %dma_start3A_151, %dma_start3A_152] : memref<4x128x128xf32, #tpu.memory_space<vmem>> -> memref<1x128x128xf32, #tpu.memory_space<vmem>>
        %dma_start3A_154 = tpu.memref_squeeze %dma_start3A_153 : memref<1x128x128xf32, #tpu.memory_space<vmem>> -> memref<128x128xf32, #tpu.memory_space<vmem>>
        %dma_start3A_155 = arith.constant 0 : i32
        %dma_start3A_156 = tpu.memref_slice %arg5[%add3A_75, %dma_start3A_155] : memref<104x128xi32, #tpu.memory_space<vmem>> -> memref<1x128xi32, #tpu.memory_space<vmem>>
        %dma_start3A_157 = tpu.memref_squeeze %dma_start3A_156 : memref<1x128xi32, #tpu.memory_space<vmem>> -> memref<128xi32, #tpu.memory_space<vmem>>
        %dma_start3A_158 = arith.constant 0 : i32
        %dma_start3A_159 = arith.constant 0 : i32
        %dma_start3A_160 = tpu.memref_slice %arg2[%dma_start3A_158, %dma_start3A_159] : memref<425984x128xf32, #tpu.memory_space<hbm>> -> memref<425984x128xf32, #tpu.memory_space<hbm>>
        tpu.enqueue_indirect_dma source(%dma_start3A_160 : memref<425984x128xf32, #tpu.memory_space<hbm>>) target(%dma_start3A_154 : memref<128x128xf32, #tpu.memory_space<vmem>>) offsets(%dma_start3A_157 : memref<128xi32, #tpu.memory_space<vmem>>) semaphore(%arg7 : memref<!tpu.dma_semaphore, #tpu.memory_space<semaphore_mem>>)
      } else {
      }
      %add3A_78 = arith.constant 1 : i32
      %add3A_79 = arith.addi %add3A_58, %add3A_78 : i32
      %dma_wait3A_80 = arith.constant 1 : i32
      %dma_wait3A_81 = arith.constant 0 : i32
      %dma_wait3A_82 = arith.constant 0 : i32
      %dma_wait3A_83 = tpu.memref_slice %arg6[%dma_wait3A_80, %dma_wait3A_81, %dma_wait3A_82] : memref<4x128x128xf32, #tpu.memory_space<vmem>> -> memref<1x128x128xf32, #tpu.memory_space<vmem>>
      %dma_wait3A_84 = tpu.memref_squeeze %dma_wait3A_83 : memref<1x128x128xf32, #tpu.memory_space<vmem>> -> memref<128x128xf32, #tpu.memory_space<vmem>>
      %dma_wait3A_85 = arith.constant 0 : i32
      %dma_wait3A_86 = tpu.memref_slice %arg5[%add3A_79, %dma_wait3A_85] : memref<104x128xi32, #tpu.memory_space<vmem>> -> memref<1x128xi32, #tpu.memory_space<vmem>>
      %dma_wait3A_87 = tpu.memref_squeeze %dma_wait3A_86 : memref<1x128xi32, #tpu.memory_space<vmem>> -> memref<128xi32, #tpu.memory_space<vmem>>
      %dma_wait3A_88 = arith.constant 0 : i32
      %dma_wait3A_89 = arith.constant 0 : i32
      %dma_wait3A_90 = tpu.memref_slice %arg2[%dma_wait3A_88, %dma_wait3A_89] : memref<425984x128xf32, #tpu.memory_space<hbm>> -> memref<425984x128xf32, #tpu.memory_space<hbm>>
      tpu.wait_indirect_dma semaphore(%arg8 : memref<!tpu.dma_semaphore, #tpu.memory_space<semaphore_mem>>) src(%dma_wait3A_90 : memref<425984x128xf32, #tpu.memory_space<hbm>>) dst(%dma_wait3A_84 : memref<128x128xf32, #tpu.memory_space<vmem>>)
      %mul3A_91 = arith.constant 128 : i32
      %mul3A_92 = arith.muli %add3A_79, %mul3A_91 : i32
      %add3A_93 = arith.addi %mul3A_2, %mul3A_92 : i32
      %run_scoped3A_94 = arith.constant 1 : i32
      "tpu.region"() ({
        %run_scoped3A_150 = tpu.sem_alloc : memref<!tpu.dma_semaphore, #tpu.memory_space<semaphore_mem>>
        %dma_start3A_151 = arith.constant 0 : i32
        %dma_start3A_152 = arith.constant 0 : i32
        %dma_start3A_153 = tpu.memref_slice %arg6[%run_scoped3A_94, %dma_start3A_151, %dma_start3A_152] : memref<4x128x128xf32, #tpu.memory_space<vmem>> -> memref<1x128x128xf32, #tpu.memory_space<vmem>>
        %dma_start3A_154 = tpu.memref_squeeze %dma_start3A_153 : memref<1x128x128xf32, #tpu.memory_space<vmem>> -> memref<128x128xf32, #tpu.memory_space<vmem>>
        %dma_start3A_155 = arith.constant 0 : i32
        %dma_start3A_156 = tpu.memref_slice %arg4[%add3A_93, %dma_start3A_155] : memref<425984x128xf32, #tpu.memory_space<hbm>> -> memref<128x128xf32, #tpu.memory_space<hbm>>
        %dma_start3A_157 = arith.constant 0 : i32
        %dma_start3A_158 = tpu.memref_slice %arg4[%add3A_93, %dma_start3A_157] : memref<425984x128xf32, #tpu.memory_space<hbm>> -> memref<128x128xf32, #tpu.memory_space<hbm>>
        %dma_start3A_159 = arith.constant 0 : i32
        %dma_start3A_160 = arith.constant 0 : i32
        %dma_start3A_161 = tpu.memref_slice %arg6[%run_scoped3A_94, %dma_start3A_159, %dma_start3A_160] : memref<4x128x128xf32, #tpu.memory_space<vmem>> -> memref<1x128x128xf32, #tpu.memory_space<vmem>>
        %dma_start3A_162 = tpu.memref_squeeze %dma_start3A_161 : memref<1x128x128xf32, #tpu.memory_space<vmem>> -> memref<128x128xf32, #tpu.memory_space<vmem>>
        tpu.enqueue_dma source(%dma_start3A_162 : memref<128x128xf32, #tpu.memory_space<vmem>>) target(%dma_start3A_158 : memref<128x128xf32, #tpu.memory_space<hbm>>) target_semaphore(%run_scoped3A_150 : memref<!tpu.dma_semaphore, #tpu.memory_space<semaphore_mem>>)
        %dma_wait3A_163 = arith.constant 0 : i32
        %dma_wait3A_164 = arith.constant 0 : i32
        %dma_wait3A_165 = tpu.memref_slice %arg6[%run_scoped3A_94, %dma_wait3A_163, %dma_wait3A_164] : memref<4x128x128xf32, #tpu.memory_space<vmem>> -> memref<1x128x128xf32, #tpu.memory_space<vmem>>
        %dma_wait3A_166 = tpu.memref_squeeze %dma_wait3A_165 : memref<1x128x128xf32, #tpu.memory_space<vmem>> -> memref<128x128xf32, #tpu.memory_space<vmem>>
        %dma_wait3A_167 = arith.constant 0 : i32
        %dma_wait3A_168 = tpu.memref_slice %arg4[%add3A_93, %dma_wait3A_167] : memref<425984x128xf32, #tpu.memory_space<hbm>> -> memref<128x128xf32, #tpu.memory_space<hbm>>
        %dma_wait3A_169 = arith.constant 0 : i32
        %dma_wait3A_170 = tpu.memref_slice %arg4[%add3A_93, %dma_wait3A_169] : memref<425984x128xf32, #tpu.memory_space<hbm>> -> memref<128x128xf32, #tpu.memory_space<hbm>>
        %dma_wait3A_171 = arith.constant 0 : i32
        %dma_wait3A_172 = arith.constant 0 : i32
        %dma_wait3A_173 = tpu.memref_slice %arg6[%run_scoped3A_94, %dma_wait3A_171, %dma_wait3A_172] : memref<4x128x128xf32, #tpu.memory_space<vmem>> -> memref<1x128x128xf32, #tpu.memory_space<vmem>>
        %dma_wait3A_174 = tpu.memref_squeeze %dma_wait3A_173 : memref<1x128x128xf32, #tpu.memory_space<vmem>> -> memref<128x128xf32, #tpu.memory_space<vmem>>
        tpu.wait_dma2 semaphore(%run_scoped3A_150 : memref<!tpu.dma_semaphore, #tpu.memory_space<semaphore_mem>>) src(%dma_wait3A_174 : memref<128x128xf32, #tpu.memory_space<vmem>>) dst(%dma_wait3A_170 : memref<128x128xf32, #tpu.memory_space<hbm>>)
        tpu.yield
      }) : () -> ()
      %add3A_95 = arith.constant 4 : i32
      %add3A_96 = arith.addi %add3A_79, %add3A_95 : i32
      %lt3A_97 = arith.constant 104 : i32
      %lt3A_98 = arith.cmpi slt, %add3A_96, %lt3A_97 : i32
      %convert_element_type3A_99 = arith.extui %lt3A_98 : i1 to i32
      %cond3A_100 = arith.constant 0 : i32
      %cond3A_101 = arith.cmpi ne, %convert_element_type3A_99, %cond3A_100 : i32
      scf.if %cond3A_101 {
        %dma_start3A_150 = arith.constant 1 : i32
        %dma_start3A_151 = arith.constant 0 : i32
        %dma_start3A_152 = arith.constant 0 : i32
        %dma_start3A_153 = tpu.memref_slice %arg6[%dma_start3A_150, %dma_start3A_151, %dma_start3A_152] : memref<4x128x128xf32, #tpu.memory_space<vmem>> -> memref<1x128x128xf32, #tpu.memory_space<vmem>>
        %dma_start3A_154 = tpu.memref_squeeze %dma_start3A_153 : memref<1x128x128xf32, #tpu.memory_space<vmem>> -> memref<128x128xf32, #tpu.memory_space<vmem>>
        %dma_start3A_155 = arith.constant 0 : i32
        %dma_start3A_156 = tpu.memref_slice %arg5[%add3A_96, %dma_start3A_155] : memref<104x128xi32, #tpu.memory_space<vmem>> -> memref<1x128xi32, #tpu.memory_space<vmem>>
        %dma_start3A_157 = tpu.memref_squeeze %dma_start3A_156 : memref<1x128xi32, #tpu.memory_space<vmem>> -> memref<128xi32, #tpu.memory_space<vmem>>
        %dma_start3A_158 = arith.constant 0 : i32
        %dma_start3A_159 = arith.constant 0 : i32
        %dma_start3A_160 = tpu.memref_slice %arg2[%dma_start3A_158, %dma_start3A_159] : memref<425984x128xf32, #tpu.memory_space<hbm>> -> memref<425984x128xf32, #tpu.memory_space<hbm>>
        tpu.enqueue_indirect_dma source(%dma_start3A_160 : memref<425984x128xf32, #tpu.memory_space<hbm>>) target(%dma_start3A_154 : memref<128x128xf32, #tpu.memory_space<vmem>>) offsets(%dma_start3A_157 : memref<128xi32, #tpu.memory_space<vmem>>) semaphore(%arg8 : memref<!tpu.dma_semaphore, #tpu.memory_space<semaphore_mem>>)
      } else {
      }
      %add3A_102 = arith.constant 2 : i32
      %add3A_103 = arith.addi %add3A_58, %add3A_102 : i32
      %dma_wait3A_104 = arith.constant 2 : i32
      %dma_wait3A_105 = arith.constant 0 : i32
      %dma_wait3A_106 = arith.constant 0 : i32
      %dma_wait3A_107 = tpu.memref_slice %arg6[%dma_wait3A_104, %dma_wait3A_105, %dma_wait3A_106] : memref<4x128x128xf32, #tpu.memory_space<vmem>> -> memref<1x128x128xf32, #tpu.memory_space<vmem>>
      %dma_wait3A_108 = tpu.memref_squeeze %dma_wait3A_107 : memref<1x128x128xf32, #tpu.memory_space<vmem>> -> memref<128x128xf32, #tpu.memory_space<vmem>>
      %dma_wait3A_109 = arith.constant 0 : i32
      %dma_wait3A_110 = tpu.memref_slice %arg5[%add3A_103, %dma_wait3A_109] : memref<104x128xi32, #tpu.memory_space<vmem>> -> memref<1x128xi32, #tpu.memory_space<vmem>>
      %dma_wait3A_111 = tpu.memref_squeeze %dma_wait3A_110 : memref<1x128xi32, #tpu.memory_space<vmem>> -> memref<128xi32, #tpu.memory_space<vmem>>
      %dma_wait3A_112 = arith.constant 0 : i32
      %dma_wait3A_113 = arith.constant 0 : i32
      %dma_wait3A_114 = tpu.memref_slice %arg2[%dma_wait3A_112, %dma_wait3A_113] : memref<425984x128xf32, #tpu.memory_space<hbm>> -> memref<425984x128xf32, #tpu.memory_space<hbm>>
      tpu.wait_indirect_dma semaphore(%arg9 : memref<!tpu.dma_semaphore, #tpu.memory_space<semaphore_mem>>) src(%dma_wait3A_114 : memref<425984x128xf32, #tpu.memory_space<hbm>>) dst(%dma_wait3A_108 : memref<128x128xf32, #tpu.memory_space<vmem>>)
      %mul3A_115 = arith.constant 128 : i32
      %mul3A_116 = arith.muli %add3A_103, %mul3A_115 : i32
      %add3A_117 = arith.addi %mul3A_2, %mul3A_116 : i32
      %run_scoped3A_118 = arith.constant 2 : i32
      "tpu.region"() ({
        %run_scoped3A_150 = tpu.sem_alloc : memref<!tpu.dma_semaphore, #tpu.memory_space<semaphore_mem>>
        %dma_start3A_151 = arith.constant 0 : i32
        %dma_start3A_152 = arith.constant 0 : i32
        %dma_start3A_153 = tpu.memref_slice %arg6[%run_scoped3A_118, %dma_start3A_151, %dma_start3A_152] : memref<4x128x128xf32, #tpu.memory_space<vmem>> -> memref<1x128x128xf32, #tpu.memory_space<vmem>>
        %dma_start3A_154 = tpu.memref_squeeze %dma_start3A_153 : memref<1x128x128xf32, #tpu.memory_space<vmem>> -> memref<128x128xf32, #tpu.memory_space<vmem>>
        %dma_start3A_155 = arith.constant 0 : i32
        %dma_start3A_156 = tpu.memref_slice %arg4[%add3A_117, %dma_start3A_155] : memref<425984x128xf32, #tpu.memory_space<hbm>> -> memref<128x128xf32, #tpu.memory_space<hbm>>
        %dma_start3A_157 = arith.constant 0 : i32
        %dma_start3A_158 = tpu.memref_slice %arg4[%add3A_117, %dma_start3A_157] : memref<425984x128xf32, #tpu.memory_space<hbm>> -> memref<128x128xf32, #tpu.memory_space<hbm>>
        %dma_start3A_159 = arith.constant 0 : i32
        %dma_start3A_160 = arith.constant 0 : i32
        %dma_start3A_161 = tpu.memref_slice %arg6[%run_scoped3A_118, %dma_start3A_159, %dma_start3A_160] : memref<4x128x128xf32, #tpu.memory_space<vmem>> -> memref<1x128x128xf32, #tpu.memory_space<vmem>>
        %dma_start3A_162 = tpu.memref_squeeze %dma_start3A_161 : memref<1x128x128xf32, #tpu.memory_space<vmem>> -> memref<128x128xf32, #tpu.memory_space<vmem>>
        tpu.enqueue_dma source(%dma_start3A_162 : memref<128x128xf32, #tpu.memory_space<vmem>>) target(%dma_start3A_158 : memref<128x128xf32, #tpu.memory_space<hbm>>) target_semaphore(%run_scoped3A_150 : memref<!tpu.dma_semaphore, #tpu.memory_space<semaphore_mem>>)
        %dma_wait3A_163 = arith.constant 0 : i32
        %dma_wait3A_164 = arith.constant 0 : i32
        %dma_wait3A_165 = tpu.memref_slice %arg6[%run_scoped3A_118, %dma_wait3A_163, %dma_wait3A_164] : memref<4x128x128xf32, #tpu.memory_space<vmem>> -> memref<1x128x128xf32, #tpu.memory_space<vmem>>
        %dma_wait3A_166 = tpu.memref_squeeze %dma_wait3A_165 : memref<1x128x128xf32, #tpu.memory_space<vmem>> -> memref<128x128xf32, #tpu.memory_space<vmem>>
        %dma_wait3A_167 = arith.constant 0 : i32
        %dma_wait3A_168 = tpu.memref_slice %arg4[%add3A_117, %dma_wait3A_167] : memref<425984x128xf32, #tpu.memory_space<hbm>> -> memref<128x128xf32, #tpu.memory_space<hbm>>
        %dma_wait3A_169 = arith.constant 0 : i32
        %dma_wait3A_170 = tpu.memref_slice %arg4[%add3A_117, %dma_wait3A_169] : memref<425984x128xf32, #tpu.memory_space<hbm>> -> memref<128x128xf32, #tpu.memory_space<hbm>>
        %dma_wait3A_171 = arith.constant 0 : i32
        %dma_wait3A_172 = arith.constant 0 : i32
        %dma_wait3A_173 = tpu.memref_slice %arg6[%run_scoped3A_118, %dma_wait3A_171, %dma_wait3A_172] : memref<4x128x128xf32, #tpu.memory_space<vmem>> -> memref<1x128x128xf32, #tpu.memory_space<vmem>>
        %dma_wait3A_174 = tpu.memref_squeeze %dma_wait3A_173 : memref<1x128x128xf32, #tpu.memory_space<vmem>> -> memref<128x128xf32, #tpu.memory_space<vmem>>
        tpu.wait_dma2 semaphore(%run_scoped3A_150 : memref<!tpu.dma_semaphore, #tpu.memory_space<semaphore_mem>>) src(%dma_wait3A_174 : memref<128x128xf32, #tpu.memory_space<vmem>>) dst(%dma_wait3A_170 : memref<128x128xf32, #tpu.memory_space<hbm>>)
        tpu.yield
      }) : () -> ()
      %add3A_119 = arith.constant 4 : i32
      %add3A_120 = arith.addi %add3A_103, %add3A_119 : i32
      %lt3A_121 = arith.constant 104 : i32
      %lt3A_122 = arith.cmpi slt, %add3A_120, %lt3A_121 : i32
      %convert_element_type3A_123 = arith.extui %lt3A_122 : i1 to i32
      %cond3A_124 = arith.constant 0 : i32
      %cond3A_125 = arith.cmpi ne, %convert_element_type3A_123, %cond3A_124 : i32
      scf.if %cond3A_125 {
        %dma_start3A_150 = arith.constant 2 : i32
        %dma_start3A_151 = arith.constant 0 : i32
        %dma_start3A_152 = arith.constant 0 : i32
        %dma_start3A_153 = tpu.memref_slice %arg6[%dma_start3A_150, %dma_start3A_151, %dma_start3A_152] : memref<4x128x128xf32, #tpu.memory_space<vmem>> -> memref<1x128x128xf32, #tpu.memory_space<vmem>>
        %dma_start3A_154 = tpu.memref_squeeze %dma_start3A_153 : memref<1x128x128xf32, #tpu.memory_space<vmem>> -> memref<128x128xf32, #tpu.memory_space<vmem>>
        %dma_start3A_155 = arith.constant 0 : i32
        %dma_start3A_156 = tpu.memref_slice %arg5[%add3A_120, %dma_start3A_155] : memref<104x128xi32, #tpu.memory_space<vmem>> -> memref<1x128xi32, #tpu.memory_space<vmem>>
        %dma_start3A_157 = tpu.memref_squeeze %dma_start3A_156 : memref<1x128xi32, #tpu.memory_space<vmem>> -> memref<128xi32, #tpu.memory_space<vmem>>
        %dma_start3A_158 = arith.constant 0 : i32
        %dma_start3A_159 = arith.constant 0 : i32
        %dma_start3A_160 = tpu.memref_slice %arg2[%dma_start3A_158, %dma_start3A_159] : memref<425984x128xf32, #tpu.memory_space<hbm>> -> memref<425984x128xf32, #tpu.memory_space<hbm>>
        tpu.enqueue_indirect_dma source(%dma_start3A_160 : memref<425984x128xf32, #tpu.memory_space<hbm>>) target(%dma_start3A_154 : memref<128x128xf32, #tpu.memory_space<vmem>>) offsets(%dma_start3A_157 : memref<128xi32, #tpu.memory_space<vmem>>) semaphore(%arg9 : memref<!tpu.dma_semaphore, #tpu.memory_space<semaphore_mem>>)
      } else {
      }
      %add3A_126 = arith.constant 3 : i32
      %add3A_127 = arith.addi %add3A_58, %add3A_126 : i32
      %dma_wait3A_128 = arith.constant 3 : i32
      %dma_wait3A_129 = arith.constant 0 : i32
      %dma_wait3A_130 = arith.constant 0 : i32
      %dma_wait3A_131 = tpu.memref_slice %arg6[%dma_wait3A_128, %dma_wait3A_129, %dma_wait3A_130] : memref<4x128x128xf32, #tpu.memory_space<vmem>> -> memref<1x128x128xf32, #tpu.memory_space<vmem>>
      %dma_wait3A_132 = tpu.memref_squeeze %dma_wait3A_131 : memref<1x128x128xf32, #tpu.memory_space<vmem>> -> memref<128x128xf32, #tpu.memory_space<vmem>>
      %dma_wait3A_133 = arith.constant 0 : i32
      %dma_wait3A_134 = tpu.memref_slice %arg5[%add3A_127, %dma_wait3A_133] : memref<104x128xi32, #tpu.memory_space<vmem>> -> memref<1x128xi32, #tpu.memory_space<vmem>>
      %dma_wait3A_135 = tpu.memref_squeeze %dma_wait3A_134 : memref<1x128xi32, #tpu.memory_space<vmem>> -> memref<128xi32, #tpu.memory_space<vmem>>
      %dma_wait3A_136 = arith.constant 0 : i32
      %dma_wait3A_137 = arith.constant 0 : i32
      %dma_wait3A_138 = tpu.memref_slice %arg2[%dma_wait3A_136, %dma_wait3A_137] : memref<425984x128xf32, #tpu.memory_space<hbm>> -> memref<425984x128xf32, #tpu.memory_space<hbm>>
      tpu.wait_indirect_dma semaphore(%arg10 : memref<!tpu.dma_semaphore, #tpu.memory_space<semaphore_mem>>) src(%dma_wait3A_138 : memref<425984x128xf32, #tpu.memory_space<hbm>>) dst(%dma_wait3A_132 : memref<128x128xf32, #tpu.memory_space<vmem>>)
      %mul3A_139 = arith.constant 128 : i32
      %mul3A_140 = arith.muli %add3A_127, %mul3A_139 : i32
      %add3A_141 = arith.addi %mul3A_2, %mul3A_140 : i32
      %run_scoped3A_142 = arith.constant 3 : i32
      "tpu.region"() ({
        %run_scoped3A_150 = tpu.sem_alloc : memref<!tpu.dma_semaphore, #tpu.memory_space<semaphore_mem>>
        %dma_start3A_151 = arith.constant 0 : i32
        %dma_start3A_152 = arith.constant 0 : i32
        %dma_start3A_153 = tpu.memref_slice %arg6[%run_scoped3A_142, %dma_start3A_151, %dma_start3A_152] : memref<4x128x128xf32, #tpu.memory_space<vmem>> -> memref<1x128x128xf32, #tpu.memory_space<vmem>>
        %dma_start3A_154 = tpu.memref_squeeze %dma_start3A_153 : memref<1x128x128xf32, #tpu.memory_space<vmem>> -> memref<128x128xf32, #tpu.memory_space<vmem>>
        %dma_start3A_155 = arith.constant 0 : i32
        %dma_start3A_156 = tpu.memref_slice %arg4[%add3A_141, %dma_start3A_155] : memref<425984x128xf32, #tpu.memory_space<hbm>> -> memref<128x128xf32, #tpu.memory_space<hbm>>
        %dma_start3A_157 = arith.constant 0 : i32
        %dma_start3A_158 = tpu.memref_slice %arg4[%add3A_141, %dma_start3A_157] : memref<425984x128xf32, #tpu.memory_space<hbm>> -> memref<128x128xf32, #tpu.memory_space<hbm>>
        %dma_start3A_159 = arith.constant 0 : i32
        %dma_start3A_160 = arith.constant 0 : i32
        %dma_start3A_161 = tpu.memref_slice %arg6[%run_scoped3A_142, %dma_start3A_159, %dma_start3A_160] : memref<4x128x128xf32, #tpu.memory_space<vmem>> -> memref<1x128x128xf32, #tpu.memory_space<vmem>>
        %dma_start3A_162 = tpu.memref_squeeze %dma_start3A_161 : memref<1x128x128xf32, #tpu.memory_space<vmem>> -> memref<128x128xf32, #tpu.memory_space<vmem>>
        tpu.enqueue_dma source(%dma_start3A_162 : memref<128x128xf32, #tpu.memory_space<vmem>>) target(%dma_start3A_158 : memref<128x128xf32, #tpu.memory_space<hbm>>) target_semaphore(%run_scoped3A_150 : memref<!tpu.dma_semaphore, #tpu.memory_space<semaphore_mem>>)
        %dma_wait3A_163 = arith.constant 0 : i32
        %dma_wait3A_164 = arith.constant 0 : i32
        %dma_wait3A_165 = tpu.memref_slice %arg6[%run_scoped3A_142, %dma_wait3A_163, %dma_wait3A_164] : memref<4x128x128xf32, #tpu.memory_space<vmem>> -> memref<1x128x128xf32, #tpu.memory_space<vmem>>
        %dma_wait3A_166 = tpu.memref_squeeze %dma_wait3A_165 : memref<1x128x128xf32, #tpu.memory_space<vmem>> -> memref<128x128xf32, #tpu.memory_space<vmem>>
        %dma_wait3A_167 = arith.constant 0 : i32
        %dma_wait3A_168 = tpu.memref_slice %arg4[%add3A_141, %dma_wait3A_167] : memref<425984x128xf32, #tpu.memory_space<hbm>> -> memref<128x128xf32, #tpu.memory_space<hbm>>
        %dma_wait3A_169 = arith.constant 0 : i32
        %dma_wait3A_170 = tpu.memref_slice %arg4[%add3A_141, %dma_wait3A_169] : memref<425984x128xf32, #tpu.memory_space<hbm>> -> memref<128x128xf32, #tpu.memory_space<hbm>>
        %dma_wait3A_171 = arith.constant 0 : i32
        %dma_wait3A_172 = arith.constant 0 : i32
        %dma_wait3A_173 = tpu.memref_slice %arg6[%run_scoped3A_142, %dma_wait3A_171, %dma_wait3A_172] : memref<4x128x128xf32, #tpu.memory_space<vmem>> -> memref<1x128x128xf32, #tpu.memory_space<vmem>>
        %dma_wait3A_174 = tpu.memref_squeeze %dma_wait3A_173 : memref<1x128x128xf32, #tpu.memory_space<vmem>> -> memref<128x128xf32, #tpu.memory_space<vmem>>
        tpu.wait_dma2 semaphore(%run_scoped3A_150 : memref<!tpu.dma_semaphore, #tpu.memory_space<semaphore_mem>>) src(%dma_wait3A_174 : memref<128x128xf32, #tpu.memory_space<vmem>>) dst(%dma_wait3A_170 : memref<128x128xf32, #tpu.memory_space<hbm>>)
        tpu.yield
      }) : () -> ()
      %add3A_143 = arith.constant 4 : i32
      %add3A_144 = arith.addi %add3A_127, %add3A_143 : i32
      %lt3A_145 = arith.constant 104 : i32
      %lt3A_146 = arith.cmpi slt, %add3A_144, %lt3A_145 : i32
      %convert_element_type3A_147 = arith.extui %lt3A_146 : i1 to i32
      %cond3A_148 = arith.constant 0 : i32
      %cond3A_149 = arith.cmpi ne, %convert_element_type3A_147, %cond3A_148 : i32
      scf.if %cond3A_149 {
        %dma_start3A_150 = arith.constant 3 : i32
        %dma_start3A_151 = arith.constant 0 : i32
        %dma_start3A_152 = arith.constant 0 : i32
        %dma_start3A_153 = tpu.memref_slice %arg6[%dma_start3A_150, %dma_start3A_151, %dma_start3A_152] : memref<4x128x128xf32, #tpu.memory_space<vmem>> -> memref<1x128x128xf32, #tpu.memory_space<vmem>>
        %dma_start3A_154 = tpu.memref_squeeze %dma_start3A_153 : memref<1x128x128xf32, #tpu.memory_space<vmem>> -> memref<128x128xf32, #tpu.memory_space<vmem>>
        %dma_start3A_155 = arith.constant 0 : i32
        %dma_start3A_156 = tpu.memref_slice %arg5[%add3A_144, %dma_start3A_155] : memref<104x128xi32, #tpu.memory_space<vmem>> -> memref<1x128xi32, #tpu.memory_space<vmem>>
        %dma_start3A_157 = tpu.memref_squeeze %dma_start3A_156 : memref<1x128xi32, #tpu.memory_space<vmem>> -> memref<128xi32, #tpu.memory_space<vmem>>
        %dma_start3A_158 = arith.constant 0 : i32
        %dma_start3A_159 = arith.constant 0 : i32
        %dma_start3A_160 = tpu.memref_slice %arg2[%dma_start3A_158, %dma_start3A_159] : memref<425984x128xf32, #tpu.memory_space<hbm>> -> memref<425984x128xf32, #tpu.memory_space<hbm>>
        tpu.enqueue_indirect_dma source(%dma_start3A_160 : memref<425984x128xf32, #tpu.memory_space<hbm>>) target(%dma_start3A_154 : memref<128x128xf32, #tpu.memory_space<vmem>>) offsets(%dma_start3A_157 : memref<128xi32, #tpu.memory_space<vmem>>) semaphore(%arg10 : memref<!tpu.dma_semaphore, #tpu.memory_space<semaphore_mem>>)
      } else {
      }
    }
    %scan3A_53 = arith.constant 26 : i32
    return
  }
}

</mosaic_0001>

<sc_bundles>
// kernel: kernel.3.cloned.1.call-start
scs
__scs_entry_jumppad:
0x0: {  	(pc) =	sbr.rel $0x88, $3  }
0x1: {  	(tag) =	ssettag $0x0;
	lr =	simm.s32 $0x1  }
0x2: {  	[smem:$0x3FA0] =	sst lr;
	_ =	strace $0xD0000000  }
0x3: {  	_ = 	snop  }
0x4: {  	_ = 	snop  }
0x5: {  	_ = 	snop  }
0x6: {  	_ = 	snop  }
0x7: {  	_ = 	snop  }
__scs_overlays_trampoline_lowered:
0x8: {  	[smem:$0x3FAF] =	sst s0  }
0x9: {  	[smem:$0x3FB0] =	sst s1  }
0xa: {  	[smem:$0x3FB1] =	sst s2  }
0xb: {  	[smem:$0x3FB2] =	sst s3  }
0xc: {  	[smem:$0x3FB3] =	sst s4  }
0xd: {  	[smem:$0x3FB4] =	sst s5  }
0xe: {  	[smem:$0x3FB5] =	sst s6  }
0xf: {  	[smem:$0x3FB6] =	sst s7  }
0x10: {  	[smem:$0x3FB7] =	sst s8  }
0x11: {  	[smem:$0x3FB8] =	sst s9;
	s0 =	simm.s32 @!p0 $0x0  }
0x12: {  	s1 =	sld [smem:$0x3F9E];
	s0 =	simm.s32 @p0 $0x1  }
0x13: {  	[smem:$0x3FB9] =	sst s0;
	s0 =	simm.s32 @!p1 $0x0  }
0x14: {  	s2 =	sld [smem:$0x3F9D];
	s0 =	simm.s32 @p1 $0x1  }
0x15: {  	[smem:$0x3FBA] =	sst s0;
	s0 =	simm.s32 @!p2 $0x0  }
0x16: {  	s3 =	sld [smem:$0x3FDB];
	s0 =	simm.s32 @p2 $0x1  }
0x17: {  	s4 =	simm.s32 $0x1BF5;
	[smem:$0x3FBC] =	sst s0  }
0x18: {  	s0 =	sld [smem:$0x3F9F];
	_ =	swait.ge [sflag:s4], $0x0  }
0x19: {  	s7 =	sld [smem:$0x3FA0]  }
0x1a: {  	s8 =	sadd.s32 $0xFFFFE003, lr  }
0x1b: {  	s9 =	sadd.s32 $0xFFFFFEF7, lr;
	s5 =	simm.s32 $0xFFFFFFFF;
	p2 =	slt.u32 s8, $0xFFFFF086  }
0x1c: {  	p1 =	slt.u32 s9, $0xF7A;
	s5 =	simm.s32 @!p2 $0x0  }
0x1d: {  	s5 =	simm.s32 @p1 $0x1;
	p0 =	seq.s32 s7, s2  }
0x1e: {  	s7 =	smul.u32 @!p0 $0xF7A, s2;
	p2 =	seq.s32 @!p0 s5, $0x0  }
0x1f: {  	s9 =	smul.u32 $0xF7A, s1;
	s8 =	simm.s32 @!p0 $0x1BF5;
	p2 =	por !p2, p0  }
0x20: {  	[sflag:s8] =	ssyncset.s32 @!p0 $0xFFFFF086;
	s6 =	sadd.s32 @!p0 s3, s7;
	s7 =	simm.s32 @!p0 $0x108  }
0x21: {  	s3 =	sadd.s32 s3, s9;
	s6 =	sadd.s32 @!p0 $0x88, s6;
	s7 =	simm.s32 @p2 $0x1082  }
0x22: {  	[simem:s7], [sflag:s8] =	dma.local @!p0 [hbm:s6], $0xF7A  }
0x23: {  	s9 =	sor.u32 $0xD0000000, s2;
	s6 =	simm.s32 $0x108;
	_ =	swait.ge @!p0 [sflag:s8], $0x0  }
0x24: {  	s3 =	sadd.s32 $0x88, s3;
	s6 =	simm.s32 @!p1 $0x1082;
	[sflag:s4] =	ssyncset.s32 $0xFFFFF086  }
0x25: {  	[simem:s6], [sflag:s4] =	dma.local [hbm:s3], $0xF7A  }
0x26: {  	[smem:$0x3FA0] =	sst s1;
	(tag) =	ssettag s2;
	_ =	strace s9  }
0x27: {  	s1 =	sld [smem:$0x3FB0]  }
0x28: {  	s2 =	sld [smem:$0x3FB1]  }
0x29: {  	s4 =	sld [smem:$0x3FB3]  }
0x2a: {  	p0 =	seq.s32 s5, $0x0;
	s5 =	sld [smem:$0x3FB4]  }
0x2b: {  	s6 =	sld [smem:$0x3FB5]  }
0x2c: {  	s7 =	sld [smem:$0x3FB6]  }
0x2d: {  	s3 =	simm.s32 $0x108;
	s8 =	sld [smem:$0x3FB7]  }
0x2e: {  	s3 =	simm.s32 @!p0 $0x1082;
	s9 =	sld [smem:$0x3FB8]  }
0x2f: {  	lr =	sadd.s32 s0, s3;
	s0 =	sld [smem:$0x3FAF]  }
0x30: {  	s3 =	sld [smem:$0x3FB2]  }
0x31: {  	[smem:$0x3FBB] =	sst s10  }
0x32: {  	s10 =	sld [smem:$0x3FB9];
	_ =	sdelay $0x3  }
0x33: {  	p0 =	seq.s32 s10, $0x1;
	s10 =	sld [smem:$0x3FBB];
	_ =	sdelay $0x3  }
0x34: {  	[smem:$0x3FBB] =	sst s10  }
0x35: {  	s10 =	sld [smem:$0x3FBA];
	_ =	sdelay $0x3  }
0x36: {  	p1 =	seq.s32 s10, $0x1;
	s10 =	sld [smem:$0x3FBB];
	_ =	sdelay $0x3  }
0x37: {  	[smem:$0x3FBB] =	sst s10  }
0x38: {  	s10 =	sld [smem:$0x3FBC]  }
0x39: {  	_ = 	snop;
	(pc) =	sbr.ind lr, $3  }
0x3a: {  	_ = 	snop  }
0x3b: {  	_ = 	snop  }
0x3c: {  	p2 =	seq.s32 s10, $0x1;
	s10 =	sld [smem:$0x3FBB]  }
0x3d: {  	_ =	shalt  }
0x3e: {  	_ =	shalt  }
0x3f: {  	_ =	shalt  }
0x40: {  	_ =	shalt  }
0x41: {  	_ =	shalt  }
0x42: {  	_ =	shalt  }
0x43: {  	_ =	shalt  }
0x44: {  	_ =	shalt  }
0x45: {  	_ =	shalt  }
0x46: {  	_ =	shalt  }
0x47: {  	_ =	shalt  }
0x48: {  	_ =	shalt  }
0x49: {  	_ =	shalt  }
0x4a: {  	_ =	shalt  }
0x4b: {  	_ =	shalt  }
0x4c: {  	_ =	shalt  }
0x4d: {  	_ =	shalt  }
0x4e: {  	_ =	shalt  }
0x4f: {  	_ =	shalt  }
0x50: {  	_ =	shalt  }
0x51: {  	_ =	shalt  }
0x52: {  	_ =	shalt  }
0x53: {  	_ =	shalt  }
0x54: {  	_ =	shalt  }
0x55: {  	_ =	shalt  }
0x56: {  	_ =	shalt  }
0x57: {  	_ =	shalt  }
0x58: {  	_ =	shalt  }
0x59: {  	_ =	shalt  }
0x5a: {  	_ =	shalt  }
0x5b: {  	_ =	shalt  }
0x5c: {  	_ =	shalt  }
0x5d: {  	_ =	shalt  }
0x5e: {  	_ =	shalt  }
0x5f: {  	_ =	shalt  }
0x60: {  	_ =	shalt  }
0x61: {  	_ =	shalt  }
0x62: {  	_ =	shalt  }
0x63: {  	_ =	shalt  }
0x64: {  	_ =	shalt  }
0x65: {  	_ =	shalt  }
0x66: {  	_ =	shalt  }
0x67: {  	_ =	shalt  }
0x68: {  	_ =	shalt  }
0x69: {  	_ =	shalt  }
0x6a: {  	_ =	shalt  }
0x6b: {  	_ =	shalt  }
0x6c: {  	_ =	shalt  }
0x6d: {  	_ =	shalt  }
0x6e: {  	_ =	shalt  }
0x6f: {  	_ =	shalt  }
0x70: {  	_ =	shalt  }
0x71: {  	_ =	shalt  }
0x72: {  	_ =	shalt  }
0x73: {  	_ =	shalt  }
0x74: {  	_ =	shalt  }
0x75: {  	_ =	shalt  }
0x76: {  	_ =	shalt  }
0x77: {  	_ =	shalt  }
0x78: {  	_ =	shalt  }
0x79: {  	_ =	shalt  }
0x7a: {  	_ =	shalt  }
0x7b: {  	_ =	shalt  }
0x7c: {  	_ =	shalt  }
0x7d: {  	_ =	shalt  }
0x7e: {  	_ =	shalt  }
0x7f: {  	_ =	shalt  }
0x80: {  	_ =	shalt  }
0x81: {  	_ =	shalt  }
0x82: {  	_ =	shalt  }
0x83: {  	_ =	shalt  }
0x84: {  	_ =	shalt  }
0x85: {  	_ =	shalt  }
0x86: {  	_ =	shalt  }
0x87: {  	_ =	shalt  }
.Lfunc_end0:
.L_simem_size_0:
called_computation_lowered:
.L_overlay_start_0:
0x88: {  	s2 =	sld [smem:$0x3FD9]  }
0x89: {  	s3 =	sld [smem:$0x3FFE];
	_ =	sdelay $0x1  }
0x8a: {  	s1 =	srdreg.scid  }
0x8b: {  	s0 =	sand.u32 $0x1, s1  }
0x8c: {  	s17 =	sshll.u32 s0, $0xA;
	s2 =	sadd.s32 s3, s2  }
0x8d: {  	s2 =	sadd.s32 s2, s17  }
0x8e: {  	[smem:$0x3FC7] =	sst s2  }
0x8f: {  	_ = 	snop  }
0x90: {  	s2 =	sld [smem:$0x3FD0];
	(tm) =	ssettm $0x1  }
0x91: {  	s18 =	sld [smem:$0x3FFB];
	_ =	sdelay $0x3  }
0x92: {  	_ =	strace s18  }
0x93: {  	s3 =	sld [smem:$0x3FFC];
	_ =	sdelay $0x3  }
0x94: {  	_ =	strace s3  }
0x95: {  	s3 =	sld [smem:$0x3FFD];
	_ =	sdelay $0x3  }
0x96: {  	_ =	strace s3  }
0x97: {  	_ =	strace $0x8FFFFFFF  }
0x98: {  	s19 =	sld [smem:$0x3FDB];
	_ =	sdelay $0x1  }
0x99: {  	s4 =	simm.s32 $_scs_section_size  }
0x9a: {  	s5 =	simm.s32 $_size__tile_overlayer_lowered;
	s6 =	simm.s32 $_tile_overlayer_lowered  }
0x9b: {  	s22 =	simm.s32 $0x1BFF;
	s21 =	sshll.u32 s6, $0x1;
	s3 =	sadd.s32 s4, s19  }
0x9c: {  	s7 =	simm.s32 $0x0;
	s20 =	sshll.u32 s5, $0x1;
	s5 =	sadd.s32 s21, s3  }
0x9d: {  	[timem:s7], [sflag:s22] =	dma.local [hbm:s5], s20  }
0x9e: {  	_ =	swait.ge [sflag:s22], s20  }
0x9f: {  	s4 =	ssub.s32 $0x0, s20;
	[sflag:s22] =	ssyncset.done $0x0  }
0xa0: {  	[sflag:s22] =	ssyncadd.s32 s4;
	_ =	sdelay $0x1  }
0xa1: {  	s23 =	simm.s32 $0x1B8B  }
0xa2: {  	_ =	swait.ge [sflag:s23], $0x1  }
0xa3: {  	[sflag:s23] =	ssyncset.done $0x0  }
0xa4: {  	s25 =	simm.s32 $0x1B8E;
	s24 =	sld [smem:$0x3FFE];
	[sflag:s23] =	ssyncadd.s32 $0xFFFFFFFF  }
0xa5: {  	s26 =	simm.s32 $execute0_lowered;
	[smem:$0x3FD2] =	sst s25  }
0xa6: {  	s5 =	sshll.u32 s26, $0x1;
	_ =	strace $0x80000046;
	[dreg:$0x1] =	wrdreg $0xFFFFFFFF  }
0xa7: {  	s28 =	simm.s32 $_size_execute0_lowered;
	s3 =	sadd.s32 s3, s5;
	[dreg:$0x0] =	wrdreg $0x0  }
0xa8: {  	s5 =	sshll.u32 s28, $0x1;
	[dreg:$0x2] =	wrdreg s3  }
0xa9: {  	[dreg:$0x3] =	wrdreg s5  }
0xaa: {  	[dreg:$0x4] =	wrdreg $0xC0  }
0xab: {  	_ =	task [dreg:s7], $0x5FFFF  }
0xac: {  	[dreg:$0x1] =	wrdreg $0xFFFFFFFF  }
0xad: {  	[dreg:$0x0] =	wrdreg $0x60  }
0xae: {  	[dreg:$0x2] =	wrdreg s2  }
0xaf: {  	[dreg:$0x3] =	wrdreg s24  }
0xb0: {  	[dreg:$0x4] =	wrdreg $0x9  }
0xb1: {  	_ =	task.clear_ibuf [dreg:s7], $0x5FFFF;
	_ =	strace $0x90000046  }
0xb2: {  	s29 =	simm.s32 $0x9;
	_ =	strace $0x80000048  }
0xb3: {  	_ =	swait.ge [sflag:s29], $0x1  }
0xb4: {  	[sflag:s29] =	ssyncadd.s32 $0xFFFFFFFF  }
0xb5: {  	_ =	strace $0x90000048  }
0xb6: {  	_ =	sfence  }
0xb7: {  	s30 =	sld [smem:$0x0];
	_ =	sdelay $0x2  }
0xb8: {  	s31 =	sshll.u32 s1, $0xD;
	s1 =	sshrl.u32 s1, $0x2  }
0xb9: {  	s3 =	sand.u32 $0x4000, s31;
	s1 =	sadd.s32 s1, s30  }
0xba: {  	s0 =	sor.u32 s3, s0;
	s1 =	sshll.u32 s1, $0x11  }
0xbb: {  	s0 =	sor.u32 s1, s0  }
0xbc: {  	s0 =	sadd.s32 $0x8F2B, s0  }
0xbd: {  	[sflag:s0] =	ssyncadd.remote.s32 $0x1  }
0xbe: {  	_ =	sfence.sel $0xFFFF  }
0xbf: {  	[dreg:$0x0] =	wrdreg $0xFFFFFFFF;
	(pc) =	sbr.abs _section_cstart, $3  }
0xc0: {  	[dreg:$0x1] =	wrdreg $0xFFFFFFFF  }
0xc1: {  	_ =	task.clear_ibuf [dreg:s7], $0x2FFFF;
	_ =	strace $0x9FFFFFFF  }
0xc2: {  	(tm) =	ssettm $0x7FFFFFFF  }
0xc3: {  	_ =	shalt  }
tec
execute0_lowered:
.L_overlay_start_1:
0x0: {  	(tag) =	ssettag $0x1  }
0x1: {  	s1 =	srdreg.scid  }
0x2: {  	s0 =	stileid.u32;
	s2 =	rddreg [dreg:$0x0]  }
0x3: {  	s4 =	rddreg [dreg:$0x1];
	s3 =	simm.s32 $0x0;
	s15 =	simm.s32 $0x7400  }
0x4: {  	s16 =	simm.s32 $0x100;
	s17 =	simm.s32 $0xB400;
	s18 =	simm.s32 $0x180  }
0x5: {  	s19 =	simm.s32 $0xF400;
	s20 =	simm.s32 $0x1;
	s21 =	simm.s32 $0x2  }
0x6: {  	s22 =	simm.s32 $0x3;
	s23 =	simm.s32 $0x4;
	s11 =	smul.u32 $0x340000, s0  }
0x7: {  	s24 =	simm.s32 $0x0;
	s9 =	sand.u32 $0x1, s1;
	s14 =	smul.u32 $0x68000, s0  }
0x8: {  	s25 =	sshll.u32 s0, $0x1;
	s1 =	rddreg [dreg:$0x2];
	s13 =	smul.u32 $0x1A0000, s9  }
0x9: {  	[smem:$0x7FF] =	sst s3;
	s5 =	sor.u32 s9, s25;
	s30 =	smul.u32 $0x34000, s9  }
0xa: {  	s10 =	sadd.s32 $0xD600, s4;
	s7 =	ssub.s32 $0x2, s9;
	s6 =	smul.u32 $0x3400, s5  }
0xb: {  	_ =	strace $0x80000047;
	s26 =	sshrl.u32 s7, $0x1;
	s8 =	smul.u32 $0x1A0000, s5  }
0xc: {  	s28 =	smul.u32 $0x34000, s5;
	s31 =	sadd.s32 s14, s10;
	s14 =	simm.s32 $0x3400  }
0xd: {  	s7 =	ssub.s32 s7, s26;
	s11 =	sadd.s32 s13, s11;
	s13 =	simm.s32 $0x80  }
0xe: {  	s6 =	sshrl.u32 s6, $0x3;
	s5 =	smax.u32 s7, $0x1;
	s29 =	sshrl.u32 s8, $0x3  }
0xf: {  	s12 =	sadd.s32 s10, s28;
	s11 =	sshrl.u32 s11, $0x3;
	s6 =	sadd.s32 s6, s4  }
0x10: {  	s7 =	sadd.s32 s10, s29;
	s8 =	sadd.s32 $0x33000, s12;
	s9 =	sadd.s32 $0x33800, s12  }
0x11: {  	s10 =	sadd.s32 s11, s10;
	s11 =	sadd.s32 s30, s31;
	s4 =	sadd.s32 $0x600, s6  }
0x12: {  	s6 =	sadd.s32 $0x32000, s7;
	s7 =	sadd.s32 $0x32800, s12;
	s12 =	simm.s32 $0x5  }
.LBB2_1:
0x13: {  	[tilespmem:s3], [sflag:$0x5] =	stream.linear.gather [hbm4b:s4+s3], $0x3400, $0x38;
	[tilespmem:$0x13400] =	vst v63  }
0x14: {  	_ =	swait.ge [sflag:s12], $0x3400  }
0x15: {  	[sflag:s12] =	ssyncset.done $0x0  }
0x16: {  	[sflag:s12] =	ssyncadd.s32 $0xFFFFCC00  }
0x17: {  	[tilespmem:s14], [sflag:$0x1] =	stream.indirect.gather [hbm4b:s2+s13], $0x80, s3, s13, $0xb8;
	[tilespmem:$0x13400] =	vst v63  }
0x18: {  	_ = 	snop  }
0x19: {  	[tilespmem:s15], [sflag:$0x2] =	stream.indirect.gather [hbm4b:s2+s13], $0x80, s13, s13, $0xb8;
	[tilespmem:$0x13400] =	vst v63  }
0x1a: {  	_ = 	snop  }
0x1b: {  	[tilespmem:s17], [sflag:$0x3] =	stream.indirect.gather [hbm4b:s2+s13], $0x80, s16, s13, $0xb8;
	[tilespmem:$0x13400] =	vst v63  }
0x1c: {  	_ = 	snop  }
0x1d: {  	[tilespmem:s19], [sflag:$0x4] =	stream.indirect.gather [hbm4b:s2+s13], $0x80, s18, s13, $0xb8;
	[tilespmem:$0x13400] =	vst v63  }
0x1e: {  	_ =	swait.ge [sflag:s20], $0x4000  }
0x1f: {  	[sflag:s20] =	ssyncset.done $0x0  }
0x20: {  	s25 =	sadd.s32 $0x0, s10;
	[sflag:s20] =	ssyncadd.s32 $0xFFFFC000  }
0x21: {  	[hbm4b:s25+s3] =	stream.linear.scatter [tilespmem:s14], [sflag:$0x5], $0x4000, $0x38;
	[tilespmem:$0x13400] =	vst v63  }
0x22: {  	_ =	swait.ge [sflag:s12], $0x4000  }
0x23: {  	[sflag:s12] =	ssyncset.done $0x0  }
0x24: {  	s26 =	simm.s32 $0x200;
	[sflag:s12] =	ssyncadd.s32 $0xFFFFC000  }
0x25: {  	[tilespmem:s14], [sflag:$0x1] =	stream.indirect.gather [hbm4b:s2+s13], $0x80, s26, s13, $0xb8;
	[tilespmem:$0x13400] =	vst v63  }
0x26: {  	_ =	swait.ge [sflag:s21], $0x4000  }
0x27: {  	s25 =	sadd.s32 $0x0, s11;
	[sflag:s21] =	ssyncset.done $0x0  }
0x28: {  	s26 =	sadd.s32 $0x800, s25;
	[sflag:s21] =	ssyncadd.s32 $0xFFFFC000  }
0x29: {  	[hbm4b:s26+s3] =	stream.linear.scatter [tilespmem:s15], [sflag:$0x5], $0x4000, $0x38;
	[tilespmem:$0x13400] =	vst v63  }
0x2a: {  	_ =	swait.ge [sflag:s12], $0x4000  }
0x2b: {  	[sflag:s12] =	ssyncset.done $0x0  }
0x2c: {  	s29 =	simm.s32 $0x280;
	[sflag:s12] =	ssyncadd.s32 $0xFFFFC000  }
0x2d: {  	[tilespmem:s15], [sflag:$0x2] =	stream.indirect.gather [hbm4b:s2+s13], $0x80, s29, s13, $0xb8;
	[tilespmem:$0x13400] =	vst v63  }
0x2e: {  	_ =	swait.ge [sflag:s22], $0x4000  }
0x2f: {  	[sflag:s22] =	ssyncset.done $0x0  }
0x30: {  	s30 =	sadd.s32 $0x1000, s25;
	[sflag:s22] =	ssyncadd.s32 $0xFFFFC000  }
0x31: {  	[hbm4b:s30+s3] =	stream.linear.scatter [tilespmem:s17], [sflag:$0x5], $0x4000, $0x38;
	[tilespmem:$0x13400] =	vst v63  }
0x32: {  	_ =	swait.ge [sflag:s12], $0x4000  }
0x33: {  	[sflag:s12] =	ssyncset.done $0x0  }
0x34: {  	s31 =	simm.s32 $0x300;
	[sflag:s12] =	ssyncadd.s32 $0xFFFFC000  }
0x35: {  	[tilespmem:s17], [sflag:$0x3] =	stream.indirect.gather [hbm4b:s2+s13], $0x80, s31, s13, $0xb8;
	[tilespmem:$0x13400] =	vst v63  }
0x36: {  	_ =	swait.ge [sflag:s23], $0x4000  }
0x37: {  	[sflag:s23] =	ssyncset.done $0x0  }
0x38: {  	s25 =	sadd.s32 $0x1800, s25;
	[sflag:s23] =	ssyncadd.s32 $0xFFFFC000  }
0x39: {  	[hbm4b:s25+s3] =	stream.linear.scatter [tilespmem:s19], [sflag:$0x5], $0x4000, $0x38;
	[tilespmem:$0x13400] =	vst v63  }
0x3a: {  	_ =	swait.ge [sflag:s12], $0x4000  }
0x3b: {  	s28 =	simm.s32 $0x580;
	[sflag:s12] =	ssyncset.done $0x0  }
0x3c: {  	s26 =	simm.s32 $0x2000;
	s25 =	simm.s32 $0x380;
	[sflag:s12] =	ssyncadd.s32 $0xFFFFC000  }
.LBB2_2:
0x3d: {  	[tilespmem:s19], [sflag:$0x4] =	stream.indirect.gather [hbm4b:s2+s13], $0x80, s25, s13, $0xb8;
	[tilespmem:$0x13400] =	vst v63  }
0x3e: {  	s29 =	smov.u32 s26;
	s25 =	smov.u32 s28  }
0x3f: {  	p0 =	sne.s32 s26, $0x30000;
	s26 =	sadd.s32 $0x2000, s26;
	_ =	swait.ge [sflag:s20], $0x4000  }
0x40: {  	[sflag:s20] =	ssyncset.done $0x0  }
0x41: {  	s30 =	sadd.s32 s29, s10;
	[sflag:s20] =	ssyncadd.s32 $0xFFFFC000  }
0x42: {  	[hbm4b:s30+s3] =	stream.linear.scatter [tilespmem:s14], [sflag:$0x5], $0x4000, $0x38;
	[tilespmem:$0x13400] =	vst v63  }
0x43: {  	_ =	swait.ge [sflag:s12], $0x4000  }
0x44: {  	[sflag:s12] =	ssyncset.done $0x0  }
0x45: {  	s30 =	sadd.s32 $0xFFFFFE80, s28;
	[sflag:s12] =	ssyncadd.s32 $0xFFFFC000  }
0x46: {  	[tilespmem:s14], [sflag:$0x1] =	stream.indirect.gather [hbm4b:s2+s13], $0x80, s30, s13, $0xb8;
	[tilespmem:$0x13400] =	vst v63  }
0x47: {  	_ =	swait.ge [sflag:s21], $0x4000  }
0x48: {  	s29 =	sadd.s32 s29, s11;
	[sflag:s21] =	ssyncset.done $0x0  }
0x49: {  	s30 =	sadd.s32 $0x800, s29;
	[sflag:s21] =	ssyncadd.s32 $0xFFFFC000  }
0x4a: {  	[hbm4b:s30+s3] =	stream.linear.scatter [tilespmem:s15], [sflag:$0x5], $0x4000, $0x38;
	[tilespmem:$0x13400] =	vst v63  }
0x4b: {  	_ =	swait.ge [sflag:s12], $0x4000  }
0x4c: {  	[sflag:s12] =	ssyncset.done $0x0  }
0x4d: {  	s30 =	sadd.s32 $0xFFFFFF00, s28;
	[sflag:s12] =	ssyncadd.s32 $0xFFFFC000  }
0x4e: {  	[tilespmem:s15], [sflag:$0x2] =	stream.indirect.gather [hbm4b:s2+s13], $0x80, s30, s13, $0xb8;
	[tilespmem:$0x13400] =	vst v63  }
0x4f: {  	_ =	swait.ge [sflag:s22], $0x4000  }
0x50: {  	[sflag:s22] =	ssyncset.done $0x0  }
0x51: {  	s30 =	sadd.s32 $0x1000, s29;
	[sflag:s22] =	ssyncadd.s32 $0xFFFFC000  }
0x52: {  	[hbm4b:s30+s3] =	stream.linear.scatter [tilespmem:s17], [sflag:$0x5], $0x4000, $0x38;
	[tilespmem:$0x13400] =	vst v63  }
0x53: {  	_ =	swait.ge [sflag:s12], $0x4000  }
0x54: {  	[sflag:s12] =	ssyncset.done $0x0  }
0x55: {  	s30 =	sadd.s32 $0xFFFFFF80, s28;
	[sflag:s12] =	ssyncadd.s32 $0xFFFFC000  }
0x56: {  	[tilespmem:s17], [sflag:$0x3] =	stream.indirect.gather [hbm4b:s2+s13], $0x80, s30, s13, $0xb8;
	[tilespmem:$0x13400] =	vst v63  }
0x57: {  	_ =	swait.ge [sflag:s23], $0x4000  }
0x58: {  	[sflag:s23] =	ssyncset.done $0x0  }
.Ltmp0:
0x59: {  	s29 =	sadd.s32 $0x1800, s29;
	[sflag:s23] =	ssyncadd.s32 $0xFFFFC000;
	(pc) =	sbr.rel @p0 .LBB2_2-.Ltmp0, $4  }
0x5a: {  	[hbm4b:s29+s3] =	stream.linear.scatter [tilespmem:s19], [sflag:$0x5], $0x4000, $0x38;
	[tilespmem:$0x13400] =	vst v63  }
0x5b: {  	_ =	swait.ge [sflag:s12], $0x4000  }
0x5c: {  	[sflag:s12] =	ssyncset.done $0x0  }
0x5d: {  	s28 =	sadd.s32 $0x200, s28;
	[sflag:s12] =	ssyncadd.s32 $0xFFFFC000  }
0x5e: {  	[tilespmem:s19], [sflag:$0x4] =	stream.indirect.gather [hbm4b:s2+s13], $0x80, s25, s13, $0xb8;
	[tilespmem:$0x13400] =	vst v63  }
0x5f: {  	_ =	swait.ge [sflag:s20], $0x4000  }
0x60: {  	[sflag:s20] =	ssyncset.done $0x0  }
0x61: {  	[sflag:s20] =	ssyncadd.s32 $0xFFFFC000  }
0x62: {  	[hbm4b:s6+s3] =	stream.linear.scatter [tilespmem:s14], [sflag:$0x5], $0x4000, $0x38;
	[tilespmem:$0x13400] =	vst v63  }
0x63: {  	_ =	swait.ge [sflag:s12], $0x4000  }
0x64: {  	[sflag:s12] =	ssyncset.done $0x0  }
0x65: {  	[sflag:s12] =	ssyncadd.s32 $0xFFFFC000  }
0x66: {  	_ =	swait.ge [sflag:s21], $0x4000  }
0x67: {  	[sflag:s21] =	ssyncset.done $0x0  }
0x68: {  	[sflag:s21] =	ssyncadd.s32 $0xFFFFC000  }
0x69: {  	[hbm4b:s7+s3] =	stream.linear.scatter [tilespmem:s15], [sflag:$0x5], $0x4000, $0x38;
	[tilespmem:$0x13400] =	vst v63  }
0x6a: {  	_ =	swait.ge [sflag:s12], $0x4000  }
0x6b: {  	[sflag:s12] =	ssyncset.done $0x0  }
0x6c: {  	[sflag:s12] =	ssyncadd.s32 $0xFFFFC000  }
0x6d: {  	_ =	swait.ge [sflag:s22], $0x4000  }
0x6e: {  	[sflag:s22] =	ssyncset.done $0x0  }
0x6f: {  	[sflag:s22] =	ssyncadd.s32 $0xFFFFC000  }
0x70: {  	[hbm4b:s8+s3] =	stream.linear.scatter [tilespmem:s17], [sflag:$0x5], $0x4000, $0x38;
	[tilespmem:$0x13400] =	vst v63  }
0x71: {  	_ =	swait.ge [sflag:s12], $0x4000  }
0x72: {  	[sflag:s12] =	ssyncset.done $0x0  }
0x73: {  	[sflag:s12] =	ssyncadd.s32 $0xFFFFC000  }
0x74: {  	s24 =	sadd.s32 $0x1, s24;
	_ =	swait.ge [sflag:s23], $0x4000  }
0x75: {  	p0 =	sne.s32 s24, s5;
	[sflag:s23] =	ssyncset.done $0x0  }
.Ltmp1:
0x76: {  	[sflag:s23] =	ssyncadd.s32 $0xFFFFC000;
	(pc) =	sbr.rel @p0 .LBB2_1-.Ltmp1, $4  }
0x77: {  	[hbm4b:s9+s3] =	stream.linear.scatter [tilespmem:s19], [sflag:$0x5], $0x4000, $0x38;
	[tilespmem:$0x13400] =	vst v63  }
0x78: {  	_ =	swait.ge [sflag:s12], $0x4000  }
0x79: {  	[sflag:s12] =	ssyncset.done $0x0  }
0x7a: {  	[sflag:s12] =	ssyncadd.s32 $0xFFFFC000  }
0x7b: {  	_ =	sfence.sel $0x180000  }
0x7c: {  	[bflag:$0x0] =	sbarrier.arrive $0xFFFF  }
0x7d: {  	p0 =	sne.s32 s0, $0x0;
	_ =	strace $0x90000047  }
0x7e: {  	s0 =	sadd.s32 @!p0 $0x100000, s1;
	[bflag:$0x2] =	sbarrier.arrive $0xFFFF  }
0x7f: {  	[sflag:s0] =	ssyncadd.tile.s32 @!p0 $0x1;
	_ =	shalt  }
.Lfunc_end2:
_tile_overlayer_lowered:
.L_overlay_start_2:
0x80: {  	(tag) =	ssettag $0x2  }
0x81: {  	s0 =	rddreg [dreg:$0x0];
	s2 =	stileid.u32  }
0x82: {  	s1 =	rddreg [dreg:$0x1];
	p0 =	sne.s32 s2, $0x0  }
0x83: {  	s3 =	rddreg [dreg:$0x2];
	[bflag:$0x3] =	sbarrier.arrive $0xFFFF;
	s2 =	simm.s32 @!p0 $0x1C05  }
0x84: {  	[timem:s3], [sflag:s2] =	dma.local @!p0 [hbm:s0], s1  }
0x85: {  	s0 =	simm.s32 @!p0 $0x5  }
0x86: {  	_ =	swait.ge @!p0 [sflag:s0], s1  }
0x87: {  	s1 =	ssub.s32 @!p0 $0x0, s1;
	[sflag:s0] =	ssyncset.done @!p0 $0x0  }
0x88: {  	[sflag:s0] =	ssyncadd.s32 @!p0 s1  }
0x89: {  	[bflag:$0x3] =	sbarrier.arrive $0xFFFF  }
0x8a: {  	_ =	shalt  }

</sc_bundles>
